<compile_context>
chip_gen: v7x
topology: tpu7x:2x2x1
jax: 0.10.2.dev20260603
libtpu: 0.0.44.dev20260713+nightly
codegen_flags: <defaults>
</compile_context>

<pallas_src>
import functools

import jax
import jax.numpy as jnp
from jax import lax
from jax.experimental import pallas as pl
from jax.experimental.pallas import tpu as pltpu
from jax.experimental.pallas import tpu_sc as plsc

K = 1024
D = 64
N = 18432
M = 2048
GRID = N // M

_NW = 32
_BPW = N // _NW
_CHUNK = 96
_NCH = _BPW // _CHUNK


def _vq_tc_body(x_ref, emb_ref, x2_ref, e2_ref, idx_ref, loss_ref, perp_ref,
                cnt_ref, acc_ref):
    i = pl.program_id(0)

    @pl.when(i == 0)
    def _init():
        cnt_ref[...] = jnp.zeros_like(cnt_ref)
        acc_ref[...] = jnp.zeros_like(acc_ref)

    x = x_ref[...]
    emb = emb_ref[...]
    s = jnp.dot(x, emb, preferred_element_type=jnp.float32)
    x2 = x2_ref[...]
    e2 = e2_ref[...]
    d = x2 - 2.0 * s + e2
    m = jnp.min(d, axis=1, keepdims=True)
    eqm = d == m
    iota = lax.broadcasted_iota(jnp.int32, (1, K), 1).astype(jnp.float32)
    idx = jnp.min(jnp.where(eqm, iota, float(K)), axis=1)
    idx_ref[...] = idx.astype(jnp.int32)
    oh = eqm.astype(jnp.float32)
    ones = jnp.ones((1, M), jnp.float32)
    cnt_ref[...] += lax.dot_general(ones, oh, (((1,), (0,)), ((), ())),
                                    preferred_element_type=jnp.float32)
    acc_ref[...] = acc_ref[...] + jnp.sum(m, keepdims=True)

    @pl.when(i == GRID - 1)
    def _fin():
        sse = acc_ref[...]
        loss_ref[...] = (1.25 / (N * D)) * sse
        p = cnt_ref[...] * (1.0 / N)
        ent = -jnp.sum(p * jnp.log(p + 1e-10), keepdims=True)
        perp_ref[...] = jnp.exp(ent)


_tc_call = pl.pallas_call(
    _vq_tc_body,
    grid=(GRID,),
    in_specs=[
        pl.BlockSpec((M, D), lambda i: (i, 0)),
        pl.BlockSpec((D, K), lambda i: (0, 0)),
        pl.BlockSpec((M, 1), lambda i: (i, 0)),
        pl.BlockSpec((1, K), lambda i: (0, 0)),
    ],
    out_specs=[
        pl.BlockSpec((M,), lambda i: (i,)),
        pl.BlockSpec((1, 1), lambda i: (0, 0)),
        pl.BlockSpec((1, 1), lambda i: (0, 0)),
    ],
    out_shape=[
        jax.ShapeDtypeStruct((N,), jnp.int32),
        jax.ShapeDtypeStruct((1, 1), jnp.float32),
        jax.ShapeDtypeStruct((1, 1), jnp.float32),
    ],
    scratch_shapes=[
        pltpu.VMEM((1, K), jnp.float32),
        pltpu.VMEM((1, 1), jnp.float32),
    ],
)


def _sc_gather(table, idx2d):
    mesh = plsc.VectorSubcoreMesh(core_axis_name="c", subcore_axis_name="s")

    @functools.partial(
        pl.kernel,
        mesh=mesh,
        compiler_params=pltpu.CompilerParams(use_tc_tiling_on_sc=False),
        out_type=jax.ShapeDtypeStruct((32, _BPW, D), jnp.float32),
        scratch_types=[
            pltpu.VMEM((_NCH, _CHUNK), jnp.int32),
            pltpu.VMEM((_BPW, D), jnp.float32),
            pltpu.VMEM_SHARED((K, D), jnp.float32),
            pltpu.SemaphoreType.DMA,
        ],
    )
    def gk(table_hbm, idx_hbm, out_hbm, idx_v, rows_v, table_sh, sem):
        wid = lax.axis_index("s") * 2 + lax.axis_index("c")

        @pl.when(lax.axis_index("s") == 0)
        def _stage():
            pltpu.sync_copy(table_hbm, table_sh)

        pltpu.sync_copy(idx_hbm.at[wid], idx_v)
        plsc.subcore_barrier()
        descs = [
            pltpu.async_copy(table_sh.at[idx_v.at[j]],
                             rows_v.at[pl.ds(j * _CHUNK, _CHUNK)], sem)
            for j in range(_NCH)
        ]
        for dsc in descs:
            dsc.wait()
        pltpu.sync_copy(rows_v, out_hbm.at[wid])

    return gk(table, idx2d)


def kernel(x, embedding):
    flat_x = lax.optimization_barrier(x.reshape(-1, D))
    x2 = jnp.sum(flat_x ** 2, axis=1, keepdims=True)
    e2 = jnp.sum(embedding ** 2, axis=0, keepdims=True)
    idx, loss11, perp11 = _tc_call(flat_x, embedding, x2, e2)
    quantized = _sc_gather(embedding.T, idx.reshape(_NW, _NCH, _CHUNK))
    return (
        loss11[0, 0],
        quantized.reshape(x.shape),
        perp11[0, 0],
        idx.reshape(x.shape[:1] + x.shape[2:]),
    )

# --- scband reference (transcript-rebuilt; emitter-appended) ---
"""Pipeline reference for scband-vector-quantizer-13030930776476 (READ-ONLY COPY).

The authoritative reference and input builder live on the scoring server;
editing this copy changes nothing except your own understanding.
"""

import jax, jax.numpy as jnp
import numpy as np

NUM_EMBEDDINGS = 1024
EMBEDDING_DIM = 64
COMMITMENT_COST = 0.25


def setup_inputs(seed: int = 0) -> dict:
    key = jax.random.key(seed)
    k1, k2 = jax.random.split(key)
    x = jax.random.normal(k1, (32, 64, 24, 24), dtype=jnp.float32)
    # learned codebook parameter: [embedding_dim, num_embeddings]
    embedding = jax.random.normal(k2, (EMBEDDING_DIM, NUM_EMBEDDINGS), dtype=jnp.float32)
    return {"x": x, "embedding": embedding}


def reference(x, embedding):
    flat_x = x.reshape(-1, EMBEDDING_DIM)
    distances = (
        jnp.sum(flat_x ** 2, axis=1, keepdims=True)
        - 2.0 * jnp.matmul(flat_x, embedding)
        + jnp.sum(embedding ** 2, axis=0, keepdims=True)
    )
    enc_idx_flat = jnp.argmax(-distances, axis=1)
    encodings = jax.nn.one_hot(enc_idx_flat, NUM_EMBEDDINGS, dtype=x.dtype)
    encoding_indices = enc_idx_flat.reshape(x.shape[:1] + x.shape[2:])
    quantized = jnp.matmul(encodings, embedding.T)
    quantized = quantized.reshape(x.shape)
    e_latent_loss = jnp.mean((jax.lax.stop_gradient(quantized) - x) ** 2)
    q_latent_loss = jnp.mean((quantized - jax.lax.stop_gradient(x)) ** 2)
    loss = q_latent_loss + COMMITMENT_COST * e_latent_loss
    quantized_st = x + jax.lax.stop_gradient(quantized - x)
    avg_probs = jnp.mean(encodings, axis=0)
    perplexity = jnp.exp(-jnp.sum(avg_probs * jnp.log(avg_probs + 1e-10)))
    return (loss, quantized_st, perplexity, encoding_indices)

if __name__ == "__main__":
    import jax
    _d = setup_inputs()
    print(jax.jit(kernel)(*tuple(_d.values())))

</pallas_src>

<mosaic_0001>
#map = affine_map<(d0, d1) -> (0, 0)>
#map1 = affine_map<(d0, d1) -> (0, 0, 0)>
module attributes {stable_mosaic.version = 14 : i64} {
  func.func @gk(%arg0: i32, %arg1: i32, %arg2: memref<1024x64xf32, #tpu.memory_space<hbm>>, %arg3: memref<32x6x96xi32, #tpu.memory_space<hbm>>, %arg4: memref<32x576x64xf32, #tpu.memory_space<hbm>>, %arg5: memref<6x96xi32, #tpu.memory_space<vmem>>, %arg6: memref<576x64xf32, #tpu.memory_space<vmem>>, %arg7: memref<1024x64xf32, #tpu.memory_space<vmem_shared>>, %arg8: memref<!tpu.dma_semaphore, #tpu.memory_space<semaphore_mem>>) attributes {dimension_semantics = [#tpu.dimension_semantics<core_parallel>, #tpu.dimension_semantics<subcore_parallel>], iteration_bounds = array<i64: 2, 16>, scalar_prefetch = 0 : i64, scratch_operands = 4 : i64, tpu.core_type = #tpu.core_type<sc_vector_subcore>, window_params = [{transform_indices = #map}, {transform_indices = #map1}, {transform_indices = #map1}]} {
    %mul3A = arith.constant 2 : i32
    %mul3A_0 = arith.muli %arg1, %mul3A : i32
    %add3A = arith.addi %mul3A_0, %arg0 : i32
    %eq3A = arith.constant 0 : i32
    %eq3A_1 = arith.cmpi eq, %arg1, %eq3A : i32
    %convert_element_type3A = arith.extui %eq3A_1 : i1 to i32
    %cond3A = arith.constant 0 : i32
    %cond3A_2 = arith.cmpi ne, %convert_element_type3A, %cond3A : i32
    scf.if %cond3A_2 {
      "tpu.region"() ({
        %run_scoped3A = tpu.sem_alloc : memref<!tpu.dma_semaphore, #tpu.memory_space<semaphore_mem>>
        tpu.enqueue_dma source(%arg2 : memref<1024x64xf32, #tpu.memory_space<hbm>>) target(%arg7 : memref<1024x64xf32, #tpu.memory_space<vmem_shared>>) target_semaphore(%run_scoped3A : memref<!tpu.dma_semaphore, #tpu.memory_space<semaphore_mem>>)
        tpu.wait_dma2 semaphore(%run_scoped3A : memref<!tpu.dma_semaphore, #tpu.memory_space<semaphore_mem>>) src(%arg2 : memref<1024x64xf32, #tpu.memory_space<hbm>>) dst(%arg7 : memref<1024x64xf32, #tpu.memory_space<vmem_shared>>)
        tpu.yield
      }) : () -> ()
    } else {
    }
    "tpu.region"() ({
      %run_scoped3A = tpu.sem_alloc : memref<!tpu.dma_semaphore, #tpu.memory_space<semaphore_mem>>
      %dma_start3A_121 = arith.constant 0 : i32
      %dma_start3A_122 = arith.constant 0 : i32
      %dma_start3A_123 = tpu.memref_slice %arg3[%add3A, %dma_start3A_121, %dma_start3A_122] : memref<32x6x96xi32, #tpu.memory_space<hbm>> -> memref<1x6x96xi32, #tpu.memory_space<hbm>>
      %dma_start3A_124 = tpu.memref_squeeze %dma_start3A_123 : memref<1x6x96xi32, #tpu.memory_space<hbm>> -> memref<6x96xi32, #tpu.memory_space<hbm>>
      %dma_start3A_125 = arith.constant 0 : i32
      %dma_start3A_126 = arith.constant 0 : i32
      %dma_start3A_127 = tpu.memref_slice %arg3[%add3A, %dma_start3A_125, %dma_start3A_126] : memref<32x6x96xi32, #tpu.memory_space<hbm>> -> memref<1x6x96xi32, #tpu.memory_space<hbm>>
      %dma_start3A_128 = tpu.memref_squeeze %dma_start3A_127 : memref<1x6x96xi32, #tpu.memory_space<hbm>> -> memref<6x96xi32, #tpu.memory_space<hbm>>
      tpu.enqueue_dma source(%dma_start3A_128 : memref<6x96xi32, #tpu.memory_space<hbm>>) target(%arg5 : memref<6x96xi32, #tpu.memory_space<vmem>>) target_semaphore(%run_scoped3A : memref<!tpu.dma_semaphore, #tpu.memory_space<semaphore_mem>>)
      %dma_wait3A_129 = arith.constant 0 : i32
      %dma_wait3A_130 = arith.constant 0 : i32
      %dma_wait3A_131 = tpu.memref_slice %arg3[%add3A, %dma_wait3A_129, %dma_wait3A_130] : memref<32x6x96xi32, #tpu.memory_space<hbm>> -> memref<1x6x96xi32, #tpu.memory_space<hbm>>
      %dma_wait3A_132 = tpu.memref_squeeze %dma_wait3A_131 : memref<1x6x96xi32, #tpu.memory_space<hbm>> -> memref<6x96xi32, #tpu.memory_space<hbm>>
      %dma_wait3A_133 = arith.constant 0 : i32
      %dma_wait3A_134 = arith.constant 0 : i32
      %dma_wait3A_135 = tpu.memref_slice %arg3[%add3A, %dma_wait3A_133, %dma_wait3A_134] : memref<32x6x96xi32, #tpu.memory_space<hbm>> -> memref<1x6x96xi32, #tpu.memory_space<hbm>>
      %dma_wait3A_136 = tpu.memref_squeeze %dma_wait3A_135 : memref<1x6x96xi32, #tpu.memory_space<hbm>> -> memref<6x96xi32, #tpu.memory_space<hbm>>
      tpu.wait_dma2 semaphore(%run_scoped3A : memref<!tpu.dma_semaphore, #tpu.memory_space<semaphore_mem>>) src(%dma_wait3A_136 : memref<6x96xi32, #tpu.memory_space<hbm>>) dst(%arg5 : memref<6x96xi32, #tpu.memory_space<vmem>>)
      tpu.yield
    }) : () -> ()
    %barrier3A = arith.constant 0 : index
    tpu.barrier barrier_id(%barrier3A)
    %dma_start3A = arith.constant 0 : i32
    %dma_start3A_3 = arith.constant 0 : i32
    %dma_start3A_4 = arith.constant 0 : i32
    %dma_start3A_5 = tpu.memref_slice %arg6[%dma_start3A_3, %dma_start3A_4] : memref<576x64xf32, #tpu.memory_space<vmem>> -> memref<96x64xf32, #tpu.memory_space<vmem>>
    %dma_start3A_6 = arith.constant 0 : i32
    %dma_start3A_7 = tpu.memref_slice %arg5[%dma_start3A, %dma_start3A_6] : memref<6x96xi32, #tpu.memory_space<vmem>> -> memref<1x96xi32, #tpu.memory_space<vmem>>
    %dma_start3A_8 = tpu.memref_squeeze %dma_start3A_7 : memref<1x96xi32, #tpu.memory_space<vmem>> -> memref<96xi32, #tpu.memory_space<vmem>>
    %dma_start3A_9 = arith.constant 0 : i32
    %dma_start3A_10 = arith.constant 0 : i32
    %dma_start3A_11 = tpu.memref_slice %arg7[%dma_start3A_9, %dma_start3A_10] : memref<1024x64xf32, #tpu.memory_space<vmem_shared>> -> memref<1024x64xf32, #tpu.memory_space<vmem_shared>>
    tpu.enqueue_indirect_dma source(%dma_start3A_11 : memref<1024x64xf32, #tpu.memory_space<vmem_shared>>) target(%dma_start3A_5 : memref<96x64xf32, #tpu.memory_space<vmem>>) offsets(%dma_start3A_8 : memref<96xi32, #tpu.memory_space<vmem>>) semaphore(%arg8 : memref<!tpu.dma_semaphore, #tpu.memory_space<semaphore_mem>>)
    %dma_start3A_12 = arith.constant 1 : i32
    %dma_start3A_13 = arith.constant 96 : i32
    %dma_start3A_14 = arith.constant 0 : i32
    %dma_start3A_15 = tpu.memref_slice %arg6[%dma_start3A_13, %dma_start3A_14] : memref<576x64xf32, #tpu.memory_space<vmem>> -> memref<96x64xf32, #tpu.memory_space<vmem>>
    %dma_start3A_16 = arith.constant 0 : i32
    %dma_start3A_17 = tpu.memref_slice %arg5[%dma_start3A_12, %dma_start3A_16] : memref<6x96xi32, #tpu.memory_space<vmem>> -> memref<1x96xi32, #tpu.memory_space<vmem>>
    %dma_start3A_18 = tpu.memref_squeeze %dma_start3A_17 : memref<1x96xi32, #tpu.memory_space<vmem>> -> memref<96xi32, #tpu.memory_space<vmem>>
    %dma_start3A_19 = arith.constant 0 : i32
    %dma_start3A_20 = arith.constant 0 : i32
    %dma_start3A_21 = tpu.memref_slice %arg7[%dma_start3A_19, %dma_start3A_20] : memref<1024x64xf32, #tpu.memory_space<vmem_shared>> -> memref<1024x64xf32, #tpu.memory_space<vmem_shared>>
    tpu.enqueue_indirect_dma source(%dma_start3A_21 : memref<1024x64xf32, #tpu.memory_space<vmem_shared>>) target(%dma_start3A_15 : memref<96x64xf32, #tpu.memory_space<vmem>>) offsets(%dma_start3A_18 : memref<96xi32, #tpu.memory_space<vmem>>) semaphore(%arg8 : memref<!tpu.dma_semaphore, #tpu.memory_space<semaphore_mem>>)
    %dma_start3A_22 = arith.constant 2 : i32
    %dma_start3A_23 = arith.constant 192 : i32
    %dma_start3A_24 = arith.constant 0 : i32
    %dma_start3A_25 = tpu.memref_slice %arg6[%dma_start3A_23, %dma_start3A_24] : memref<576x64xf32, #tpu.memory_space<vmem>> -> memref<96x64xf32, #tpu.memory_space<vmem>>
    %dma_start3A_26 = arith.constant 0 : i32
    %dma_start3A_27 = tpu.memref_slice %arg5[%dma_start3A_22, %dma_start3A_26] : memref<6x96xi32, #tpu.memory_space<vmem>> -> memref<1x96xi32, #tpu.memory_space<vmem>>
    %dma_start3A_28 = tpu.memref_squeeze %dma_start3A_27 : memref<1x96xi32, #tpu.memory_space<vmem>> -> memref<96xi32, #tpu.memory_space<vmem>>
    %dma_start3A_29 = arith.constant 0 : i32
    %dma_start3A_30 = arith.constant 0 : i32
    %dma_start3A_31 = tpu.memref_slice %arg7[%dma_start3A_29, %dma_start3A_30] : memref<1024x64xf32, #tpu.memory_space<vmem_shared>> -> memref<1024x64xf32, #tpu.memory_space<vmem_shared>>
    tpu.enqueue_indirect_dma source(%dma_start3A_31 : memref<1024x64xf32, #tpu.memory_space<vmem_shared>>) target(%dma_start3A_25 : memref<96x64xf32, #tpu.memory_space<vmem>>) offsets(%dma_start3A_28 : memref<96xi32, #tpu.memory_space<vmem>>) semaphore(%arg8 : memref<!tpu.dma_semaphore, #tpu.memory_space<semaphore_mem>>)
    %dma_start3A_32 = arith.constant 3 : i32
    %dma_start3A_33 = arith.constant 288 : i32
    %dma_start3A_34 = arith.constant 0 : i32
    %dma_start3A_35 = tpu.memref_slice %arg6[%dma_start3A_33, %dma_start3A_34] : memref<576x64xf32, #tpu.memory_space<vmem>> -> memref<96x64xf32, #tpu.memory_space<vmem>>
    %dma_start3A_36 = arith.constant 0 : i32
    %dma_start3A_37 = tpu.memref_slice %arg5[%dma_start3A_32, %dma_start3A_36] : memref<6x96xi32, #tpu.memory_space<vmem>> -> memref<1x96xi32, #tpu.memory_space<vmem>>
    %dma_start3A_38 = tpu.memref_squeeze %dma_start3A_37 : memref<1x96xi32, #tpu.memory_space<vmem>> -> memref<96xi32, #tpu.memory_space<vmem>>
    %dma_start3A_39 = arith.constant 0 : i32
    %dma_start3A_40 = arith.constant 0 : i32
    %dma_start3A_41 = tpu.memref_slice %arg7[%dma_start3A_39, %dma_start3A_40] : memref<1024x64xf32, #tpu.memory_space<vmem_shared>> -> memref<1024x64xf32, #tpu.memory_space<vmem_shared>>
    tpu.enqueue_indirect_dma source(%dma_start3A_41 : memref<1024x64xf32, #tpu.memory_space<vmem_shared>>) target(%dma_start3A_35 : memref<96x64xf32, #tpu.memory_space<vmem>>) offsets(%dma_start3A_38 : memref<96xi32, #tpu.memory_space<vmem>>) semaphore(%arg8 : memref<!tpu.dma_semaphore, #tpu.memory_space<semaphore_mem>>)
    %dma_start3A_42 = arith.constant 4 : i32
    %dma_start3A_43 = arith.constant 384 : i32
    %dma_start3A_44 = arith.constant 0 : i32
    %dma_start3A_45 = tpu.memref_slice %arg6[%dma_start3A_43, %dma_start3A_44] : memref<576x64xf32, #tpu.memory_space<vmem>> -> memref<96x64xf32, #tpu.memory_space<vmem>>
    %dma_start3A_46 = arith.constant 0 : i32
    %dma_start3A_47 = tpu.memref_slice %arg5[%dma_start3A_42, %dma_start3A_46] : memref<6x96xi32, #tpu.memory_space<vmem>> -> memref<1x96xi32, #tpu.memory_space<vmem>>
    %dma_start3A_48 = tpu.memref_squeeze %dma_start3A_47 : memref<1x96xi32, #tpu.memory_space<vmem>> -> memref<96xi32, #tpu.memory_space<vmem>>
    %dma_start3A_49 = arith.constant 0 : i32
    %dma_start3A_50 = arith.constant 0 : i32
    %dma_start3A_51 = tpu.memref_slice %arg7[%dma_start3A_49, %dma_start3A_50] : memref<1024x64xf32, #tpu.memory_space<vmem_shared>> -> memref<1024x64xf32, #tpu.memory_space<vmem_shared>>
    tpu.enqueue_indirect_dma source(%dma_start3A_51 : memref<1024x64xf32, #tpu.memory_space<vmem_shared>>) target(%dma_start3A_45 : memref<96x64xf32, #tpu.memory_space<vmem>>) offsets(%dma_start3A_48 : memref<96xi32, #tpu.memory_space<vmem>>) semaphore(%arg8 : memref<!tpu.dma_semaphore, #tpu.memory_space<semaphore_mem>>)
    %dma_start3A_52 = arith.constant 5 : i32
    %dma_start3A_53 = arith.constant 480 : i32
    %dma_start3A_54 = arith.constant 0 : i32
    %dma_start3A_55 = tpu.memref_slice %arg6[%dma_start3A_53, %dma_start3A_54] : memref<576x64xf32, #tpu.memory_space<vmem>> -> memref<96x64xf32, #tpu.memory_space<vmem>>
    %dma_start3A_56 = arith.constant 0 : i32
    %dma_start3A_57 = tpu.memref_slice %arg5[%dma_start3A_52, %dma_start3A_56] : memref<6x96xi32, #tpu.memory_space<vmem>> -> memref<1x96xi32, #tpu.memory_space<vmem>>
    %dma_start3A_58 = tpu.memref_squeeze %dma_start3A_57 : memref<1x96xi32, #tpu.memory_space<vmem>> -> memref<96xi32, #tpu.memory_space<vmem>>
    %dma_start3A_59 = arith.constant 0 : i32
    %dma_start3A_60 = arith.constant 0 : i32
    %dma_start3A_61 = tpu.memref_slice %arg7[%dma_start3A_59, %dma_start3A_60] : memref<1024x64xf32, #tpu.memory_space<vmem_shared>> -> memref<1024x64xf32, #tpu.memory_space<vmem_shared>>
    tpu.enqueue_indirect_dma source(%dma_start3A_61 : memref<1024x64xf32, #tpu.memory_space<vmem_shared>>) target(%dma_start3A_55 : memref<96x64xf32, #tpu.memory_space<vmem>>) offsets(%dma_start3A_58 : memref<96xi32, #tpu.memory_space<vmem>>) semaphore(%arg8 : memref<!tpu.dma_semaphore, #tpu.memory_space<semaphore_mem>>)
    %dma_wait3A = arith.constant 0 : i32
    %dma_wait3A_62 = arith.constant 0 : i32
    %dma_wait3A_63 = arith.constant 0 : i32
    %dma_wait3A_64 = tpu.memref_slice %arg6[%dma_wait3A_62, %dma_wait3A_63] : memref<576x64xf32, #tpu.memory_space<vmem>> -> memref<96x64xf32, #tpu.memory_space<vmem>>
    %dma_wait3A_65 = arith.constant 0 : i32
    %dma_wait3A_66 = tpu.memref_slice %arg5[%dma_wait3A, %dma_wait3A_65] : memref<6x96xi32, #tpu.memory_space<vmem>> -> memref<1x96xi32, #tpu.memory_space<vmem>>
    %dma_wait3A_67 = tpu.memref_squeeze %dma_wait3A_66 : memref<1x96xi32, #tpu.memory_space<vmem>> -> memref<96xi32, #tpu.memory_space<vmem>>
    %dma_wait3A_68 = arith.constant 0 : i32
    %dma_wait3A_69 = arith.constant 0 : i32
    %dma_wait3A_70 = tpu.memref_slice %arg7[%dma_wait3A_68, %dma_wait3A_69] : memref<1024x64xf32, #tpu.memory_space<vmem_shared>> -> memref<1024x64xf32, #tpu.memory_space<vmem_shared>>
    tpu.wait_indirect_dma semaphore(%arg8 : memref<!tpu.dma_semaphore, #tpu.memory_space<semaphore_mem>>) src(%dma_wait3A_70 : memref<1024x64xf32, #tpu.memory_space<vmem_shared>>) dst(%dma_wait3A_64 : memref<96x64xf32, #tpu.memory_space<vmem>>)
    %dma_wait3A_71 = arith.constant 1 : i32
    %dma_wait3A_72 = arith.constant 96 : i32
    %dma_wait3A_73 = arith.constant 0 : i32
    %dma_wait3A_74 = tpu.memref_slice %arg6[%dma_wait3A_72, %dma_wait3A_73] : memref<576x64xf32, #tpu.memory_space<vmem>> -> memref<96x64xf32, #tpu.memory_space<vmem>>
    %dma_wait3A_75 = arith.constant 0 : i32
    %dma_wait3A_76 = tpu.memref_slice %arg5[%dma_wait3A_71, %dma_wait3A_75] : memref<6x96xi32, #tpu.memory_space<vmem>> -> memref<1x96xi32, #tpu.memory_space<vmem>>
    %dma_wait3A_77 = tpu.memref_squeeze %dma_wait3A_76 : memref<1x96xi32, #tpu.memory_space<vmem>> -> memref<96xi32, #tpu.memory_space<vmem>>
    %dma_wait3A_78 = arith.constant 0 : i32
    %dma_wait3A_79 = arith.constant 0 : i32
    %dma_wait3A_80 = tpu.memref_slice %arg7[%dma_wait3A_78, %dma_wait3A_79] : memref<1024x64xf32, #tpu.memory_space<vmem_shared>> -> memref<1024x64xf32, #tpu.memory_space<vmem_shared>>
    tpu.wait_indirect_dma semaphore(%arg8 : memref<!tpu.dma_semaphore, #tpu.memory_space<semaphore_mem>>) src(%dma_wait3A_80 : memref<1024x64xf32, #tpu.memory_space<vmem_shared>>) dst(%dma_wait3A_74 : memref<96x64xf32, #tpu.memory_space<vmem>>)
    %dma_wait3A_81 = arith.constant 2 : i32
    %dma_wait3A_82 = arith.constant 192 : i32
    %dma_wait3A_83 = arith.constant 0 : i32
    %dma_wait3A_84 = tpu.memref_slice %arg6[%dma_wait3A_82, %dma_wait3A_83] : memref<576x64xf32, #tpu.memory_space<vmem>> -> memref<96x64xf32, #tpu.memory_space<vmem>>
    %dma_wait3A_85 = arith.constant 0 : i32
    %dma_wait3A_86 = tpu.memref_slice %arg5[%dma_wait3A_81, %dma_wait3A_85] : memref<6x96xi32, #tpu.memory_space<vmem>> -> memref<1x96xi32, #tpu.memory_space<vmem>>
    %dma_wait3A_87 = tpu.memref_squeeze %dma_wait3A_86 : memref<1x96xi32, #tpu.memory_space<vmem>> -> memref<96xi32, #tpu.memory_space<vmem>>
    %dma_wait3A_88 = arith.constant 0 : i32
    %dma_wait3A_89 = arith.constant 0 : i32
    %dma_wait3A_90 = tpu.memref_slice %arg7[%dma_wait3A_88, %dma_wait3A_89] : memref<1024x64xf32, #tpu.memory_space<vmem_shared>> -> memref<1024x64xf32, #tpu.memory_space<vmem_shared>>
    tpu.wait_indirect_dma semaphore(%arg8 : memref<!tpu.dma_semaphore, #tpu.memory_space<semaphore_mem>>) src(%dma_wait3A_90 : memref<1024x64xf32, #tpu.memory_space<vmem_shared>>) dst(%dma_wait3A_84 : memref<96x64xf32, #tpu.memory_space<vmem>>)
    %dma_wait3A_91 = arith.constant 3 : i32
    %dma_wait3A_92 = arith.constant 288 : i32
    %dma_wait3A_93 = arith.constant 0 : i32
    %dma_wait3A_94 = tpu.memref_slice %arg6[%dma_wait3A_92, %dma_wait3A_93] : memref<576x64xf32, #tpu.memory_space<vmem>> -> memref<96x64xf32, #tpu.memory_space<vmem>>
    %dma_wait3A_95 = arith.constant 0 : i32
    %dma_wait3A_96 = tpu.memref_slice %arg5[%dma_wait3A_91, %dma_wait3A_95] : memref<6x96xi32, #tpu.memory_space<vmem>> -> memref<1x96xi32, #tpu.memory_space<vmem>>
    %dma_wait3A_97 = tpu.memref_squeeze %dma_wait3A_96 : memref<1x96xi32, #tpu.memory_space<vmem>> -> memref<96xi32, #tpu.memory_space<vmem>>
    %dma_wait3A_98 = arith.constant 0 : i32
    %dma_wait3A_99 = arith.constant 0 : i32
    %dma_wait3A_100 = tpu.memref_slice %arg7[%dma_wait3A_98, %dma_wait3A_99] : memref<1024x64xf32, #tpu.memory_space<vmem_shared>> -> memref<1024x64xf32, #tpu.memory_space<vmem_shared>>
    tpu.wait_indirect_dma semaphore(%arg8 : memref<!tpu.dma_semaphore, #tpu.memory_space<semaphore_mem>>) src(%dma_wait3A_100 : memref<1024x64xf32, #tpu.memory_space<vmem_shared>>) dst(%dma_wait3A_94 : memref<96x64xf32, #tpu.memory_space<vmem>>)
    %dma_wait3A_101 = arith.constant 4 : i32
    %dma_wait3A_102 = arith.constant 384 : i32
    %dma_wait3A_103 = arith.constant 0 : i32
    %dma_wait3A_104 = tpu.memref_slice %arg6[%dma_wait3A_102, %dma_wait3A_103] : memref<576x64xf32, #tpu.memory_space<vmem>> -> memref<96x64xf32, #tpu.memory_space<vmem>>
    %dma_wait3A_105 = arith.constant 0 : i32
    %dma_wait3A_106 = tpu.memref_slice %arg5[%dma_wait3A_101, %dma_wait3A_105] : memref<6x96xi32, #tpu.memory_space<vmem>> -> memref<1x96xi32, #tpu.memory_space<vmem>>
    %dma_wait3A_107 = tpu.memref_squeeze %dma_wait3A_106 : memref<1x96xi32, #tpu.memory_space<vmem>> -> memref<96xi32, #tpu.memory_space<vmem>>
    %dma_wait3A_108 = arith.constant 0 : i32
    %dma_wait3A_109 = arith.constant 0 : i32
    %dma_wait3A_110 = tpu.memref_slice %arg7[%dma_wait3A_108, %dma_wait3A_109] : memref<1024x64xf32, #tpu.memory_space<vmem_shared>> -> memref<1024x64xf32, #tpu.memory_space<vmem_shared>>
    tpu.wait_indirect_dma semaphore(%arg8 : memref<!tpu.dma_semaphore, #tpu.memory_space<semaphore_mem>>) src(%dma_wait3A_110 : memref<1024x64xf32, #tpu.memory_space<vmem_shared>>) dst(%dma_wait3A_104 : memref<96x64xf32, #tpu.memory_space<vmem>>)
    %dma_wait3A_111 = arith.constant 5 : i32
    %dma_wait3A_112 = arith.constant 480 : i32
    %dma_wait3A_113 = arith.constant 0 : i32
    %dma_wait3A_114 = tpu.memref_slice %arg6[%dma_wait3A_112, %dma_wait3A_113] : memref<576x64xf32, #tpu.memory_space<vmem>> -> memref<96x64xf32, #tpu.memory_space<vmem>>
    %dma_wait3A_115 = arith.constant 0 : i32
    %dma_wait3A_116 = tpu.memref_slice %arg5[%dma_wait3A_111, %dma_wait3A_115] : memref<6x96xi32, #tpu.memory_space<vmem>> -> memref<1x96xi32, #tpu.memory_space<vmem>>
    %dma_wait3A_117 = tpu.memref_squeeze %dma_wait3A_116 : memref<1x96xi32, #tpu.memory_space<vmem>> -> memref<96xi32, #tpu.memory_space<vmem>>
    %dma_wait3A_118 = arith.constant 0 : i32
    %dma_wait3A_119 = arith.constant 0 : i32
    %dma_wait3A_120 = tpu.memref_slice %arg7[%dma_wait3A_118, %dma_wait3A_119] : memref<1024x64xf32, #tpu.memory_space<vmem_shared>> -> memref<1024x64xf32, #tpu.memory_space<vmem_shared>>
    tpu.wait_indirect_dma semaphore(%arg8 : memref<!tpu.dma_semaphore, #tpu.memory_space<semaphore_mem>>) src(%dma_wait3A_120 : memref<1024x64xf32, #tpu.memory_space<vmem_shared>>) dst(%dma_wait3A_114 : memref<96x64xf32, #tpu.memory_space<vmem>>)
    "tpu.region"() ({
      %run_scoped3A = tpu.sem_alloc : memref<!tpu.dma_semaphore, #tpu.memory_space<semaphore_mem>>
      %dma_start3A_121 = arith.constant 0 : i32
      %dma_start3A_122 = arith.constant 0 : i32
      %dma_start3A_123 = tpu.memref_slice %arg4[%add3A, %dma_start3A_121, %dma_start3A_122] : memref<32x576x64xf32, #tpu.memory_space<hbm>> -> memref<1x576x64xf32, #tpu.memory_space<hbm>>
      %dma_start3A_124 = tpu.memref_squeeze %dma_start3A_123 : memref<1x576x64xf32, #tpu.memory_space<hbm>> -> memref<576x64xf32, #tpu.memory_space<hbm>>
      %dma_start3A_125 = arith.constant 0 : i32
      %dma_start3A_126 = arith.constant 0 : i32
      %dma_start3A_127 = tpu.memref_slice %arg4[%add3A, %dma_start3A_125, %dma_start3A_126] : memref<32x576x64xf32, #tpu.memory_space<hbm>> -> memref<1x576x64xf32, #tpu.memory_space<hbm>>
      %dma_start3A_128 = tpu.memref_squeeze %dma_start3A_127 : memref<1x576x64xf32, #tpu.memory_space<hbm>> -> memref<576x64xf32, #tpu.memory_space<hbm>>
      tpu.enqueue_dma source(%arg6 : memref<576x64xf32, #tpu.memory_space<vmem>>) target(%dma_start3A_128 : memref<576x64xf32, #tpu.memory_space<hbm>>) target_semaphore(%run_scoped3A : memref<!tpu.dma_semaphore, #tpu.memory_space<semaphore_mem>>)
      %dma_wait3A_129 = arith.constant 0 : i32
      %dma_wait3A_130 = arith.constant 0 : i32
      %dma_wait3A_131 = tpu.memref_slice %arg4[%add3A, %dma_wait3A_129, %dma_wait3A_130] : memref<32x576x64xf32, #tpu.memory_space<hbm>> -> memref<1x576x64xf32, #tpu.memory_space<hbm>>
      %dma_wait3A_132 = tpu.memref_squeeze %dma_wait3A_131 : memref<1x576x64xf32, #tpu.memory_space<hbm>> -> memref<576x64xf32, #tpu.memory_space<hbm>>
      %dma_wait3A_133 = arith.constant 0 : i32
      %dma_wait3A_134 = arith.constant 0 : i32
      %dma_wait3A_135 = tpu.memref_slice %arg4[%add3A, %dma_wait3A_133, %dma_wait3A_134] : memref<32x576x64xf32, #tpu.memory_space<hbm>> -> memref<1x576x64xf32, #tpu.memory_space<hbm>>
      %dma_wait3A_136 = tpu.memref_squeeze %dma_wait3A_135 : memref<1x576x64xf32, #tpu.memory_space<hbm>> -> memref<576x64xf32, #tpu.memory_space<hbm>>
      tpu.wait_dma2 semaphore(%run_scoped3A : memref<!tpu.dma_semaphore, #tpu.memory_space<semaphore_mem>>) src(%arg6 : memref<576x64xf32, #tpu.memory_space<vmem>>) dst(%dma_wait3A_136 : memref<576x64xf32, #tpu.memory_space<hbm>>)
      tpu.yield
    }) : () -> ()
    return
  }
}

module attributes {stable_mosaic.version = 14 : i64} {
  func.func @_vq_tc_body(%arg0: i32, %arg1: memref<2048x64xf32, #tpu.memory_space<vmem>>, %arg2: memref<64x1024xf32, #tpu.memory_space<vmem>>, %arg3: memref<2048x1xf32, #tpu.memory_space<vmem>>, %arg4: memref<1x1024xf32, #tpu.memory_space<vmem>>, %arg5: memref<2048xi32, #tpu.memory_space<vmem>>, %arg6: memref<1x1xf32, #tpu.memory_space<vmem>>, %arg7: memref<1x1xf32, #tpu.memory_space<vmem>>, %arg8: memref<1x1024xf32, #tpu.memory_space<vmem>>, %arg9: memref<1x1xf32, #tpu.memory_space<vmem>>) attributes {dimension_semantics = [#tpu.dimension_semantics<arbitrary>], iteration_bounds = array<i64: 9>, scalar_prefetch = 0 : i64, scratch_operands = 2 : i64, tpu.core_type = #tpu.core_type<tc>, window_params = [{transform_indices = @transform_0, window_bounds = array<i64: 2048, 64>}, {pipeline_mode = #tpu.pipeline_mode<synchronous>, transform_indices = @transform_1, window_bounds = array<i64: 64, 1024>}, {transform_indices = @transform_2, window_bounds = array<i64: 2048, 1>}, {pipeline_mode = #tpu.pipeline_mode<synchronous>, transform_indices = @transform_3, window_bounds = array<i64: 1, 1024>}, {transform_indices = @transform_4, window_bounds = array<i64: 2048>}, {pipeline_mode = #tpu.pipeline_mode<synchronous>, transform_indices = @transform_5, window_bounds = array<i64: 1, 1>}, {pipeline_mode = #tpu.pipeline_mode<synchronous>, transform_indices = @transform_6, window_bounds = array<i64: 1, 1>}]} {
    %eq3A = arith.constant 0 : i32
    %eq3A_0 = arith.cmpi eq, %arg0, %eq3A : i32
    %convert_element_type3A = arith.extui %eq3A_0 : i1 to i32
    %cond3A = arith.constant 0 : i32
    %cond3A_1 = arith.cmpi ne, %convert_element_type3A, %cond3A : i32
    scf.if %cond3A_1 {
      %broadcast_in_dim3A_59 = arith.constant 0.000000e+00 : f32
      %broadcast_in_dim3A_60 = vector.broadcast %broadcast_in_dim3A_59 : f32 to vector<1x1024xf32>
      %swap3A_61 = arith.constant 0 : index
      %swap3A_62 = arith.constant 0 : index
      %swap3A_63 = vector.load %arg8[%swap3A_61, %swap3A_62] : memref<1x1024xf32, #tpu.memory_space<vmem>>, vector<1x1024xf32>
      tpu.vector_store %arg8[%swap3A_61, %swap3A_62], %broadcast_in_dim3A_60 {strides = array<i32>} : memref<1x1024xf32, #tpu.memory_space<vmem>>, vector<1x1024xf32>,
      %broadcast_in_dim3A_64 = arith.constant 0.000000e+00 : f32
      %broadcast_in_dim3A_65 = vector.broadcast %broadcast_in_dim3A_64 : f32 to vector<1x1xf32>
      %swap3A_66 = arith.constant 0 : index
      %swap3A_67 = arith.constant 0 : index
      %swap3A_68 = vector.load %arg9[%swap3A_66, %swap3A_67] : memref<1x1xf32, #tpu.memory_space<vmem>>, vector<1x1xf32>
      tpu.vector_store %arg9[%swap3A_66, %swap3A_67], %broadcast_in_dim3A_65 {strides = array<i32>} : memref<1x1xf32, #tpu.memory_space<vmem>>, vector<1x1xf32>,
    } else {
    }
    %get3A = arith.constant 0 : index
    %get3A_2 = arith.constant 0 : index
    %get3A_3 = vector.load %arg1[%get3A, %get3A_2] : memref<2048x64xf32, #tpu.memory_space<vmem>>, vector<2048x64xf32>
    %get3A_4 = arith.constant 0 : index
    %get3A_5 = arith.constant 0 : index
    %get3A_6 = vector.load %arg2[%get3A_4, %get3A_5] : memref<64x1024xf32, #tpu.memory_space<vmem>>, vector<64x1024xf32>
    %dot_general3A = arith.constant dense<0.000000e+00> : vector<2048x1024xf32>
    %dot_general3A_7 = tpu.matmul %get3A_3, %get3A_6, %dot_general3A {dimension_numbers = #tpu.dot_dimension_numbers<[1], [0], [0], [1], [0, 0, 1, 1], [], []>, transpose_lhs_hint = false} : vector<2048x64xf32>, vector<64x1024xf32>, vector<2048x1024xf32> -> vector<2048x1024xf32>
    %get3A_8 = arith.constant 0 : index
    %get3A_9 = arith.constant 0 : index
    %get3A_10 = vector.load %arg3[%get3A_8, %get3A_9] : memref<2048x1xf32, #tpu.memory_space<vmem>>, vector<2048x1xf32>
    %get3A_11 = arith.constant 0 : index
    %get3A_12 = arith.constant 0 : index
    %get3A_13 = vector.load %arg4[%get3A_11, %get3A_12] : memref<1x1024xf32, #tpu.memory_space<vmem>>, vector<1x1024xf32>
    %mul3A = arith.constant 2.000000e+00 : f32
    %mul3A_14 = vector.broadcast %mul3A : f32 to vector<2048x1024xf32>
    %mul3A_15 = arith.mulf %mul3A_14, %dot_general3A_7 : vector<2048x1024xf32>
    %sub3A = vector.broadcast %get3A_10 : vector<2048x1xf32> to vector<2048x1024xf32>
    %sub3A_16 = arith.subf %sub3A, %mul3A_15 : vector<2048x1024xf32>
    %add3A = vector.broadcast %get3A_13 : vector<1x1024xf32> to vector<2048x1024xf32>
    %add3A_17 = arith.addf %sub3A_16, %add3A : vector<2048x1024xf32>
    %reduce_min3A = arith.constant dense<0x7F800000> : vector<2048xf32>
    %reduce_min3A_18 = vector.multi_reduction <minimumf>, %add3A_17, %reduce_min3A [1] : vector<2048x1024xf32> to vector<2048xf32>
    %broadcast_in_dim3A = vector.shape_cast %reduce_min3A_18 : vector<2048xf32> to vector<2048x1xf32>
    %eq3A_19 = vector.broadcast %broadcast_in_dim3A : vector<2048x1xf32> to vector<2048x1024xf32>
    %eq3A_20 = arith.cmpf oeq, %add3A_17, %eq3A_19 : vector<2048x1024xf32>
    %iota3A = tpu.iota {dimensions = array<i32: 1>} : vector<1x1024xi32>
    %convert_element_type3A_21 = arith.sitofp %iota3A : vector<1x1024xi32> to vector<1x1024xf32>
    %jit3A = arith.constant 1.024000e+03 : f32
    %broadcast_in_dim3A_22 = vector.shape_cast %convert_element_type3A_21 : vector<1x1024xf32> to vector<1x1024xf32>
    %broadcast_in_dim3A_23 = vector.broadcast %broadcast_in_dim3A_22 : vector<1x1024xf32> to vector<2048x1024xf32>
    %broadcast_in_dim3A_24 = vector.broadcast %jit3A : f32 to vector<2048x1024xf32>
    %select_n3A = arith.select %eq3A_20, %broadcast_in_dim3A_23, %broadcast_in_dim3A_24 : vector<2048x1024xi1>, vector<2048x1024xf32>
    %reduce_min3A_25 = arith.constant dense<0x7F800000> : vector<2048xf32>
    %reduce_min3A_26 = vector.multi_reduction <minimumf>, %select_n3A, %reduce_min3A_25 [1] : vector<2048x1024xf32> to vector<2048xf32>
    %convert_element_type3A_27 = arith.fptosi %reduce_min3A_26 : vector<2048xf32> to vector<2048xi32>
    %swap3A = arith.constant 0 : index
    %swap3A_28 = vector.load %arg5[%swap3A] : memref<2048xi32, #tpu.memory_space<vmem>>, vector<2048xi32>
    tpu.vector_store %arg5[%swap3A], %convert_element_type3A_27 {strides = array<i32>} : memref<2048xi32, #tpu.memory_space<vmem>>, vector<2048xi32>,
    %convert_element_type3A_29 = arith.extui %eq3A_20 : vector<2048x1024xi1> to vector<2048x1024xi32>
    %convert_element_type3A_30 = arith.sitofp %convert_element_type3A_29 : vector<2048x1024xi32> to vector<2048x1024xf32>
    %broadcast_in_dim3A_31 = arith.constant 1.000000e+00 : f32
    %broadcast_in_dim3A_32 = vector.broadcast %broadcast_in_dim3A_31 : f32 to vector<1x2048xf32>
    %get3A_33 = arith.constant 0 : index
    %get3A_34 = arith.constant 0 : index
    %get3A_35 = vector.load %arg8[%get3A_33, %get3A_34] : memref<1x1024xf32, #tpu.memory_space<vmem>>, vector<1x1024xf32>
    %dot_general3A_36 = arith.constant dense<0.000000e+00> : vector<1x1024xf32>
    %dot_general3A_37 = tpu.matmul %broadcast_in_dim3A_32, %convert_element_type3A_30, %dot_general3A_36 {dimension_numbers = #tpu.dot_dimension_numbers<[1], [0], [0], [1], [0, 0, 1, 1], [], []>, transpose_lhs_hint = false} : vector<1x2048xf32>, vector<2048x1024xf32>, vector<1x1024xf32> -> vector<1x1024xf32>
    %add3A_38 = arith.addf %get3A_35, %dot_general3A_37 : vector<1x1024xf32>
    %swap3A_39 = arith.constant 0 : index
    %swap3A_40 = arith.constant 0 : index
    %swap3A_41 = vector.load %arg8[%swap3A_39, %swap3A_40] : memref<1x1024xf32, #tpu.memory_space<vmem>>, vector<1x1024xf32>
    tpu.vector_store %arg8[%swap3A_39, %swap3A_40], %add3A_38 {strides = array<i32>} : memref<1x1024xf32, #tpu.memory_space<vmem>>, vector<1x1024xf32>,
    %get3A_42 = arith.constant 0 : index
    %get3A_43 = arith.constant 0 : index
    %get3A_44 = vector.load %arg9[%get3A_42, %get3A_43] : memref<1x1xf32, #tpu.memory_space<vmem>>, vector<1x1xf32>
    %reduce_sum3A = vector.shape_cast %broadcast_in_dim3A : vector<2048x1xf32> to vector<1x2048x1xf32>
    %reduce_sum3A_45 = arith.constant dense<0.000000e+00> : vector<1xf32>
    %reduce_sum3A_46 = vector.multi_reduction <add>, %reduce_sum3A, %reduce_sum3A_45 [1, 2] : vector<1x2048x1xf32> to vector<1xf32>
    %reduce_sum3A_47 = vector.shape_cast %reduce_sum3A_46 : vector<1xf32> to vector<1x1x1xf32>
    %reduce_sum3A_48 = vector.extract %reduce_sum3A_47[0, 0, 0] : f32 from vector<1x1x1xf32>
    %broadcast_in_dim3A_49 = vector.broadcast %reduce_sum3A_48 : f32 to vector<1x1xf32>
    %add3A_50 = arith.addf %get3A_44, %broadcast_in_dim3A_49 : vector<1x1xf32>
    %swap3A_51 = arith.constant 0 : index
    %swap3A_52 = arith.constant 0 : index
    %swap3A_53 = vector.load %arg9[%swap3A_51, %swap3A_52] : memref<1x1xf32, #tpu.memory_space<vmem>>, vector<1x1xf32>
    tpu.vector_store %arg9[%swap3A_51, %swap3A_52], %add3A_50 {strides = array<i32>} : memref<1x1xf32, #tpu.memory_space<vmem>>, vector<1x1xf32>,
    %eq3A_54 = arith.constant 8 : i32
    %eq3A_55 = arith.cmpi eq, %arg0, %eq3A_54 : i32
    %convert_element_type3A_56 = arith.extui %eq3A_55 : i1 to i32
    %cond3A_57 = arith.constant 0 : i32
    %cond3A_58 = arith.cmpi ne, %convert_element_type3A_56, %cond3A_57 : i32
    scf.if %cond3A_58 {
      %get3A_59 = arith.constant 0 : index
      %get3A_60 = arith.constant 0 : index
      %get3A_61 = vector.load %arg9[%get3A_59, %get3A_60] : memref<1x1xf32, #tpu.memory_space<vmem>>, vector<1x1xf32>
      %mul3A_62 = arith.constant 1.05963818E-6 : f32
      %mul3A_63 = vector.broadcast %mul3A_62 : f32 to vector<1x1xf32>
      %mul3A_64 = arith.mulf %mul3A_63, %get3A_61 : vector<1x1xf32>
      %swap3A_65 = arith.constant 0 : index
      %swap3A_66 = arith.constant 0 : index
      %swap3A_67 = vector.load %arg6[%swap3A_65, %swap3A_66] : memref<1x1xf32, #tpu.memory_space<vmem>>, vector<1x1xf32>
      tpu.vector_store %arg6[%swap3A_65, %swap3A_66], %mul3A_64 {strides = array<i32>} : memref<1x1xf32, #tpu.memory_space<vmem>>, vector<1x1xf32>,
      %get3A_68 = arith.constant 0 : index
      %get3A_69 = arith.constant 0 : index
      %get3A_70 = vector.load %arg8[%get3A_68, %get3A_69] : memref<1x1024xf32, #tpu.memory_space<vmem>>, vector<1x1024xf32>
      %mul3A_71 = arith.constant 5.42534726E-5 : f32
      %mul3A_72 = vector.broadcast %mul3A_71 : f32 to vector<1x1024xf32>
      %mul3A_73 = arith.mulf %get3A_70, %mul3A_72 : vector<1x1024xf32>
      %add3A_74 = arith.constant 1.000000e-10 : f32
      %add3A_75 = vector.broadcast %add3A_74 : f32 to vector<1x1024xf32>
      %add3A_76 = arith.addf %mul3A_73, %add3A_75 : vector<1x1024xf32>
      %log3A = math.log %add3A_76 : vector<1x1024xf32>
      %mul3A_77 = arith.mulf %mul3A_73, %log3A : vector<1x1024xf32>
      %reduce_sum3A_78 = vector.shape_cast %mul3A_77 : vector<1x1024xf32> to vector<1x1x1024xf32>
      %reduce_sum3A_79 = arith.constant dense<0.000000e+00> : vector<1xf32>
      %reduce_sum3A_80 = vector.multi_reduction <add>, %reduce_sum3A_78, %reduce_sum3A_79 [1, 2] : vector<1x1x1024xf32> to vector<1xf32>
      %reduce_sum3A_81 = vector.shape_cast %reduce_sum3A_80 : vector<1xf32> to vector<1x1x1xf32>
      %reduce_sum3A_82 = vector.extract %reduce_sum3A_81[0, 0, 0] : f32 from vector<1x1x1xf32>
      %broadcast_in_dim3A_83 = vector.broadcast %reduce_sum3A_82 : f32 to vector<1x1xf32>
      %neg3A = arith.constant 0.000000e+00 : f32
      %neg3A_84 = vector.broadcast %neg3A : f32 to vector<1x1xf32>
      %neg3A_85 = arith.subf %neg3A_84, %broadcast_in_dim3A_83 : vector<1x1xf32>
      %exp3A = math.exp %neg3A_85 : vector<1x1xf32>
      %swap3A_86 = arith.constant 0 : index
      %swap3A_87 = arith.constant 0 : index
      %swap3A_88 = vector.load %arg7[%swap3A_86, %swap3A_87] : memref<1x1xf32, #tpu.memory_space<vmem>>, vector<1x1xf32>
      tpu.vector_store %arg7[%swap3A_86, %swap3A_87], %exp3A {strides = array<i32>} : memref<1x1xf32, #tpu.memory_space<vmem>>, vector<1x1xf32>,
    } else {
    }
    return
  }
  func.func @transform_0(%arg0: i32) -> (i32, i32) {
    %c0_i32 = arith.constant 0 : i32
    %c0_i32_0 = arith.constant 0 : i32
    return %arg0, %c0_i32 : i32, i32
  }
  func.func @transform_1(%arg0: i32) -> (i32, i32) {
    %c0_i32 = arith.constant 0 : i32
    %c0_i32_0 = arith.constant 0 : i32
    %c0_i32_1 = arith.constant 0 : i32
    return %c0_i32, %c0_i32_0 : i32, i32
  }
  func.func @transform_2(%arg0: i32) -> (i32, i32) {
    %c0_i32 = arith.constant 0 : i32
    %c0_i32_0 = arith.constant 0 : i32
    return %arg0, %c0_i32 : i32, i32
  }
  func.func @transform_3(%arg0: i32) -> (i32, i32) {
    %c0_i32 = arith.constant 0 : i32
    %c0_i32_0 = arith.constant 0 : i32
    %c0_i32_1 = arith.constant 0 : i32
    return %c0_i32, %c0_i32_0 : i32, i32
  }
  func.func @transform_4(%arg0: i32) -> i32 {
    %c0_i32 = arith.constant 0 : i32
    return %arg0 : i32
  }
  func.func @transform_5(%arg0: i32) -> (i32, i32) {
    %c0_i32 = arith.constant 0 : i32
    %c0_i32_0 = arith.constant 0 : i32
    %c0_i32_1 = arith.constant 0 : i32
    return %c0_i32, %c0_i32_0 : i32, i32
  }
  func.func @transform_6(%arg0: i32) -> (i32, i32) {
    %c0_i32 = arith.constant 0 : i32
    %c0_i32_0 = arith.constant 0 : i32
    %c0_i32_1 = arith.constant 0 : i32
    return %c0_i32, %c0_i32_0 : i32, i32
  }
}

</mosaic_0001>

<sc_bundles>
// kernel: kernel.4.cloned.1.call-start
scs
__scs_entry_jumppad:
0x0: {  	(pc) =	sbr.rel $0x88, $3  }
0x1: {  	(tag) =	ssettag $0x0;
	lr =	simm.s32 $0x1  }
0x2: {  	[smem:$0x3F9F] =	sst lr;
	_ =	strace $0xD0000000  }
0x3: {  	_ = 	snop  }
0x4: {  	_ = 	snop  }
0x5: {  	_ = 	snop  }
0x6: {  	_ = 	snop  }
0x7: {  	_ = 	snop  }
__scs_overlays_trampoline_lowered:
0x8: {  	[smem:$0x3FAE] =	sst s0  }
0x9: {  	[smem:$0x3FAF] =	sst s1  }
0xa: {  	[smem:$0x3FB0] =	sst s2  }
0xb: {  	[smem:$0x3FB1] =	sst s3  }
0xc: {  	[smem:$0x3FB2] =	sst s4  }
0xd: {  	[smem:$0x3FB3] =	sst s5  }
0xe: {  	[smem:$0x3FB4] =	sst s6  }
0xf: {  	[smem:$0x3FB5] =	sst s7  }
0x10: {  	[smem:$0x3FB6] =	sst s8  }
0x11: {  	[smem:$0x3FB7] =	sst s9;
	s0 =	simm.s32 @!p0 $0x0  }
0x12: {  	s1 =	sld [smem:$0x3F9D];
	s0 =	simm.s32 @p0 $0x1  }
0x13: {  	[smem:$0x3FB8] =	sst s0;
	s0 =	simm.s32 @!p1 $0x0  }
0x14: {  	s2 =	sld [smem:$0x3F9C];
	s0 =	simm.s32 @p1 $0x1  }
0x15: {  	[smem:$0x3FB9] =	sst s0;
	s0 =	simm.s32 @!p2 $0x0  }
0x16: {  	s3 =	sld [smem:$0x3FDB];
	s0 =	simm.s32 @p2 $0x1  }
0x17: {  	s4 =	simm.s32 $0x1BF5;
	[smem:$0x3FBB] =	sst s0  }
0x18: {  	s0 =	sld [smem:$0x3F9E];
	_ =	swait.ge [sflag:s4], $0x0  }
0x19: {  	s7 =	sld [smem:$0x3F9F]  }
0x1a: {  	s8 =	sadd.s32 $0xFFFFE003, lr  }
0x1b: {  	s9 =	sadd.s32 $0xFFFFFEF7, lr;
	s5 =	simm.s32 $0xFFFFFFFF;
	p2 =	slt.u32 s8, $0xFFFFF086  }
0x1c: {  	p1 =	slt.u32 s9, $0xF7A;
	s5 =	simm.s32 @!p2 $0x0  }
0x1d: {  	s5 =	simm.s32 @p1 $0x1;
	p0 =	seq.s32 s7, s2  }
0x1e: {  	s7 =	smul.u32 @!p0 $0xF7A, s2;
	p2 =	seq.s32 @!p0 s5, $0x0  }
0x1f: {  	s9 =	smul.u32 $0xF7A, s1;
	s8 =	simm.s32 @!p0 $0x1BF5;
	p2 =	por !p2, p0  }
0x20: {  	[sflag:s8] =	ssyncset.s32 @!p0 $0xFFFFF086;
	s6 =	sadd.s32 @!p0 s3, s7;
	s7 =	simm.s32 @!p0 $0x108  }
0x21: {  	s3 =	sadd.s32 s3, s9;
	s6 =	sadd.s32 @!p0 $0x88, s6;
	s7 =	simm.s32 @p2 $0x1082  }
0x22: {  	[simem:s7], [sflag:s8] =	dma.local @!p0 [hbm:s6], $0xF7A  }
0x23: {  	s9 =	sor.u32 $0xD0000000, s2;
	s6 =	simm.s32 $0x108;
	_ =	swait.ge @!p0 [sflag:s8], $0x0  }
0x24: {  	s3 =	sadd.s32 $0x88, s3;
	s6 =	simm.s32 @!p1 $0x1082;
	[sflag:s4] =	ssyncset.s32 $0xFFFFF086  }
0x25: {  	[simem:s6], [sflag:s4] =	dma.local [hbm:s3], $0xF7A  }
0x26: {  	[smem:$0x3F9F] =	sst s1;
	(tag) =	ssettag s2;
	_ =	strace s9  }
0x27: {  	s1 =	sld [smem:$0x3FAF]  }
0x28: {  	s2 =	sld [smem:$0x3FB0]  }
0x29: {  	s4 =	sld [smem:$0x3FB2]  }
0x2a: {  	p0 =	seq.s32 s5, $0x0;
	s5 =	sld [smem:$0x3FB3]  }
0x2b: {  	s6 =	sld [smem:$0x3FB4]  }
0x2c: {  	s7 =	sld [smem:$0x3FB5]  }
0x2d: {  	s3 =	simm.s32 $0x108;
	s8 =	sld [smem:$0x3FB6]  }
0x2e: {  	s3 =	simm.s32 @!p0 $0x1082;
	s9 =	sld [smem:$0x3FB7]  }
0x2f: {  	lr =	sadd.s32 s0, s3;
	s0 =	sld [smem:$0x3FAE]  }
0x30: {  	s3 =	sld [smem:$0x3FB1]  }
0x31: {  	[smem:$0x3FBA] =	sst s10  }
0x32: {  	s10 =	sld [smem:$0x3FB8];
	_ =	sdelay $0x3  }
0x33: {  	p0 =	seq.s32 s10, $0x1;
	s10 =	sld [smem:$0x3FBA];
	_ =	sdelay $0x3  }
0x34: {  	[smem:$0x3FBA] =	sst s10  }
0x35: {  	s10 =	sld [smem:$0x3FB9];
	_ =	sdelay $0x3  }
0x36: {  	p1 =	seq.s32 s10, $0x1;
	s10 =	sld [smem:$0x3FBA];
	_ =	sdelay $0x3  }
0x37: {  	[smem:$0x3FBA] =	sst s10  }
0x38: {  	s10 =	sld [smem:$0x3FBB]  }
0x39: {  	_ = 	snop;
	(pc) =	sbr.ind lr, $3  }
0x3a: {  	_ = 	snop  }
0x3b: {  	_ = 	snop  }
0x3c: {  	p2 =	seq.s32 s10, $0x1;
	s10 =	sld [smem:$0x3FBA]  }
0x3d: {  	_ =	shalt  }
0x3e: {  	_ =	shalt  }
0x3f: {  	_ =	shalt  }
0x40: {  	_ =	shalt  }
0x41: {  	_ =	shalt  }
0x42: {  	_ =	shalt  }
0x43: {  	_ =	shalt  }
0x44: {  	_ =	shalt  }
0x45: {  	_ =	shalt  }
0x46: {  	_ =	shalt  }
0x47: {  	_ =	shalt  }
0x48: {  	_ =	shalt  }
0x49: {  	_ =	shalt  }
0x4a: {  	_ =	shalt  }
0x4b: {  	_ =	shalt  }
0x4c: {  	_ =	shalt  }
0x4d: {  	_ =	shalt  }
0x4e: {  	_ =	shalt  }
0x4f: {  	_ =	shalt  }
0x50: {  	_ =	shalt  }
0x51: {  	_ =	shalt  }
0x52: {  	_ =	shalt  }
0x53: {  	_ =	shalt  }
0x54: {  	_ =	shalt  }
0x55: {  	_ =	shalt  }
0x56: {  	_ =	shalt  }
0x57: {  	_ =	shalt  }
0x58: {  	_ =	shalt  }
0x59: {  	_ =	shalt  }
0x5a: {  	_ =	shalt  }
0x5b: {  	_ =	shalt  }
0x5c: {  	_ =	shalt  }
0x5d: {  	_ =	shalt  }
0x5e: {  	_ =	shalt  }
0x5f: {  	_ =	shalt  }
0x60: {  	_ =	shalt  }
0x61: {  	_ =	shalt  }
0x62: {  	_ =	shalt  }
0x63: {  	_ =	shalt  }
0x64: {  	_ =	shalt  }
0x65: {  	_ =	shalt  }
0x66: {  	_ =	shalt  }
0x67: {  	_ =	shalt  }
0x68: {  	_ =	shalt  }
0x69: {  	_ =	shalt  }
0x6a: {  	_ =	shalt  }
0x6b: {  	_ =	shalt  }
0x6c: {  	_ =	shalt  }
0x6d: {  	_ =	shalt  }
0x6e: {  	_ =	shalt  }
0x6f: {  	_ =	shalt  }
0x70: {  	_ =	shalt  }
0x71: {  	_ =	shalt  }
0x72: {  	_ =	shalt  }
0x73: {  	_ =	shalt  }
0x74: {  	_ =	shalt  }
0x75: {  	_ =	shalt  }
0x76: {  	_ =	shalt  }
0x77: {  	_ =	shalt  }
0x78: {  	_ =	shalt  }
0x79: {  	_ =	shalt  }
0x7a: {  	_ =	shalt  }
0x7b: {  	_ =	shalt  }
0x7c: {  	_ =	shalt  }
0x7d: {  	_ =	shalt  }
0x7e: {  	_ =	shalt  }
0x7f: {  	_ =	shalt  }
0x80: {  	_ =	shalt  }
0x81: {  	_ =	shalt  }
0x82: {  	_ =	shalt  }
0x83: {  	_ =	shalt  }
0x84: {  	_ =	shalt  }
0x85: {  	_ =	shalt  }
0x86: {  	_ =	shalt  }
0x87: {  	_ =	shalt  }
.Lfunc_end0:
.L_simem_size_0:
called_computation_lowered:
.L_overlay_start_0:
0x88: {  	s2 =	sld [smem:$0x3FD9]  }
0x89: {  	s3 =	sld [smem:$0x3FFE];
	_ =	sdelay $0x1  }
0x8a: {  	s1 =	srdreg.scid  }
0x8b: {  	s0 =	sand.u32 $0x1, s1  }
0x8c: {  	s14 =	sshll.u32 s0, $0xA;
	s2 =	sadd.s32 s3, s2  }
0x8d: {  	s2 =	sadd.s32 s2, s14  }
0x8e: {  	[smem:$0x3FC6] =	sst s2  }
0x8f: {  	_ = 	snop  }
0x90: {  	s2 =	sld [smem:$0x3FD0];
	_ =	sdelay $0x2  }
0x91: {  	s15 =	simm.s32 $0xA;
	s4 =	simm.s32 $0x10  }
0x92: {  	[smem:s4], [sflag:s15] =	dma.local [hbm:s2], $0x1  }
0x93: {  	_ =	swait.eq [sflag:s15], $0x1  }
0x94: {  	[sflag:s15] =	ssyncset.done $0x0  }
0x95: {  	[sflag:s15] =	ssyncadd.s32 $0xFFFFFFFF  }
0x96: {  	s16 =	sld [smem:$0x11];
	(tm) =	ssettm $0x1  }
0x97: {  	s17 =	sld [smem:$0x3FFB];
	_ =	sdelay $0x3  }
0x98: {  	_ =	strace s17  }
0x99: {  	s3 =	sld [smem:$0x3FFC];
	_ =	sdelay $0x3  }
0x9a: {  	_ =	strace s3  }
0x9b: {  	s3 =	sld [smem:$0x3FFD];
	_ =	sdelay $0x3  }
0x9c: {  	_ =	strace s3  }
0x9d: {  	_ =	strace $0x8FFFFFFF  }
0x9e: {  	s18 =	sld [smem:$0x3FDB];
	_ =	sdelay $0x1  }
0x9f: {  	s19 =	simm.s32 $_scs_section_size  }
0xa0: {  	s5 =	simm.s32 $_size__tile_overlayer_lowered;
	s6 =	simm.s32 $_tile_overlayer_lowered  }
0xa1: {  	s22 =	simm.s32 $0x1BFF;
	s21 =	sshll.u32 s6, $0x1;
	s3 =	sadd.s32 s19, s18  }
0xa2: {  	s7 =	simm.s32 $0x0;
	s20 =	sshll.u32 s5, $0x1;
	s5 =	sadd.s32 s21, s3  }
0xa3: {  	[timem:s7], [sflag:s22] =	dma.local [hbm:s5], s20  }
0xa4: {  	_ =	swait.ge [sflag:s22], s20  }
0xa5: {  	s4 =	ssub.s32 $0x0, s20;
	[sflag:s22] =	ssyncset.done $0x0  }
0xa6: {  	[sflag:s22] =	ssyncadd.s32 s4;
	_ =	sdelay $0x1  }
0xa7: {  	s23 =	simm.s32 $0x1B8B  }
0xa8: {  	_ =	swait.ge [sflag:s23], $0x1  }
0xa9: {  	[sflag:s23] =	ssyncset.done $0x0  }
0xaa: {  	s25 =	simm.s32 $0x1B8E;
	s24 =	sld [smem:$0x3FFE];
	[sflag:s23] =	ssyncadd.s32 $0xFFFFFFFF  }
0xab: {  	s26 =	simm.s32 $execute0_lowered;
	[smem:$0x3FD2] =	sst s25  }
0xac: {  	s5 =	sshll.u32 s26, $0x1;
	_ =	strace $0x80000046;
	[dreg:$0x1] =	wrdreg $0xFFFFFFFF  }
0xad: {  	s28 =	simm.s32 $_size_execute0_lowered;
	s3 =	sadd.s32 s3, s5;
	[dreg:$0x0] =	wrdreg $0x0  }
0xae: {  	s5 =	sshll.u32 s28, $0x1;
	[dreg:$0x2] =	wrdreg s3  }
0xaf: {  	[dreg:$0x3] =	wrdreg s5  }
0xb0: {  	[dreg:$0x4] =	wrdreg $0xC0  }
0xb1: {  	_ =	task [dreg:s7], $0x5FFFF  }
0xb2: {  	[dreg:$0x1] =	wrdreg $0xFFFFFFFF  }
0xb3: {  	[dreg:$0x0] =	wrdreg $0x60  }
0xb4: {  	[dreg:$0x2] =	wrdreg s24  }
0xb5: {  	[dreg:$0x3] =	wrdreg s16  }
0xb6: {  	[dreg:$0x4] =	wrdreg $0x92400  }
0xb7: {  	[dreg:$0x5] =	wrdreg $0x9  }
0xb8: {  	_ =	task.clear_ibuf [dreg:s7], $0x6FFFF;
	_ =	strace $0x90000046  }
0xb9: {  	s29 =	simm.s32 $0x9;
	_ =	strace $0x80000048  }
0xba: {  	_ =	swait.ge [sflag:s29], $0x1  }
0xbb: {  	[sflag:s29] =	ssyncadd.s32 $0xFFFFFFFF  }
0xbc: {  	_ =	strace $0x90000048  }
0xbd: {  	_ =	sfence  }
0xbe: {  	s30 =	sld [smem:$0x0];
	_ =	sdelay $0x2  }
0xbf: {  	s31 =	sshll.u32 s1, $0xD;
	s1 =	sshrl.u32 s1, $0x2  }
0xc0: {  	s3 =	sand.u32 $0x4000, s31;
	s1 =	sadd.s32 s1, s30  }
0xc1: {  	s0 =	sor.u32 s3, s0;
	s1 =	sshll.u32 s1, $0x11  }
0xc2: {  	s0 =	sor.u32 s1, s0  }
0xc3: {  	s0 =	sadd.s32 $0x8F2B, s0  }
0xc4: {  	[sflag:s0] =	ssyncadd.remote.s32 $0x1  }
0xc5: {  	_ =	sfence.sel $0xFFFF  }
0xc6: {  	[dreg:$0x0] =	wrdreg $0xFFFFFFFF;
	(pc) =	sbr.abs _section_cstart, $3  }
0xc7: {  	[dreg:$0x1] =	wrdreg $0xFFFFFFFF  }
0xc8: {  	_ =	task.clear_ibuf [dreg:s7], $0x2FFFF;
	_ =	strace $0x9FFFFFFF  }
0xc9: {  	(tm) =	ssettm $0x7FFFFFFF  }
tec
execute0_lowered:
.L_overlay_start_1:
0x0: {  	(tag) =	ssettag $0x1  }
0x1: {  	s2 =	rddreg [dreg:$0x0]  }
0x2: {  	s3 =	rddreg [dreg:$0x1];
	s0 =	srdreg.scid  }
0x3: {  	s5 =	stileid.u32;
	s4 =	rddreg [dreg:$0x2]  }
0x4: {  	s1 =	simm.s32 $0x0;
	s6 =	sand.u32 $0x1, s0;
	s7 =	sshll.u32 s5, $0x1  }
0x5: {  	s11 =	simm.s32 $0xC0;
	s7 =	sor.u32 s6, s7;
	s6 =	ssub.s32 $0x2, s6  }
0x6: {  	s12 =	simm.s32 $0x3240;
	s13 =	simm.s32 $0x120;
	s10 =	sshrl.u32 s6, $0x1  }
0x7: {  	s14 =	simm.s32 $0x4A40;
	s15 =	simm.s32 $0x180;
	s6 =	ssub.s32 s6, s10  }
0x8: {  	s16 =	simm.s32 $0x6240;
	s17 =	simm.s32 $0x1E0;
	s6 =	smax.u32 s6, $0x1  }
0x9: {  	s19 =	simm.s32 $0x7A40;
	p1 =	por $0x0, $0x0;
	s22 =	sadd.s32 $0xFFFFFFFF, s6  }
0xa: {  	s0 =	rddreg [dreg:$0x3];
	s8 =	smul.u32 $0x48, s7;
	p2 =	sne.s32 s22, $0x0  }
.Ltmp0:
0xb: {  	[smem:$0x7FF] =	sst s1;
	s9 =	sadd.s32 $0x200, s2;
	(pc) =	sbr.rel @!p2 .LBB2_3-.Ltmp0, $4  }
0xc: {  	p0 =	sne.s32 s5, $0x0;
	s5 =	simm.s32 $0x240;
	s7 =	smul.u32 $0x1200, s7  }
0xd: {  	_ =	strace $0x80000047;
	s18 =	sshrl.u32 @!p0 s4, $0x3;
	s2 =	sadd.s32 s8, s2  }
0xe: {  	s10 =	simm.s32 $0x1A40;
	s8 =	sadd.s32 $0x2200, s2;
	s2 =	sadd.s32 s3, s7  }
0xf: {  	s3 =	simm.s32 $0x2;
	s7 =	simm.s32 $0x60;
	s6 =	simm.s32 $0x1  }
0x10: {  	s20 =	simm.s32 @!p0 $0x1C02;
	s21 =	simm.s32 @!p0 $0x2  }
0x11: {  	[spmem:s18], [sflag:s20] =	dma.local @!p0 [hbm:s9], $0x2000  }
0x12: {  	_ =	swait.ge @!p0 [sflag:s21], $0x2000  }
0x13: {  	[sflag:s21] =	ssyncset.done @!p0 $0x0  }
0x14: {  	[sflag:s21] =	ssyncadd.s32 @!p0 $0xFFFFE000  }
0x15: {  	[tilespmem:s1], [sflag:$0x2] =	stream.linear.gather [hbm4b:s8+s1], $0x240, $0x38;
	[tilespmem:$0xA240] =	vst v63  }
0x16: {  	_ =	swait.ge [sflag:s3], $0x240  }
0x17: {  	[sflag:s3] =	ssyncset.done $0x0  }
0x18: {  	[sflag:s3] =	ssyncadd.s32 $0xFFFFFDC0  }
0x19: {  	[bflag:$0x0] =	sbarrier.arrive $0xFFFF  }
0x1a: {  	[tilespmem:s5], [sflag:$0x1] =	stream.indirect.gather [spmem:s4], $0x40, s1, s7, $0xb8;
	[tilespmem:$0xA240] =	vst v63  }
0x1b: {  	_ = 	snop  }
0x1c: {  	[tilespmem:s10], [sflag:$0x1] =	stream.indirect.gather [spmem:s4], $0x40, s7, s7, $0xb8;
	[tilespmem:$0xA240] =	vst v63  }
0x1d: {  	_ = 	snop  }
0x1e: {  	[tilespmem:s12], [sflag:$0x1] =	stream.indirect.gather [spmem:s4], $0x40, s11, s7, $0xb8;
	[tilespmem:$0xA240] =	vst v63  }
0x1f: {  	_ = 	snop  }
0x20: {  	[tilespmem:s14], [sflag:$0x1] =	stream.indirect.gather [spmem:s4], $0x40, s13, s7, $0xb8;
	[tilespmem:$0xA240] =	vst v63  }
0x21: {  	_ = 	snop  }
0x22: {  	[tilespmem:s16], [sflag:$0x1] =	stream.indirect.gather [spmem:s4], $0x40, s15, s7, $0xb8;
	[tilespmem:$0xA240] =	vst v63  }
0x23: {  	_ = 	snop  }
0x24: {  	[tilespmem:s19], [sflag:$0x1] =	stream.indirect.gather [spmem:s4], $0x40, s17, s7, $0xb8;
	[tilespmem:$0xA240] =	vst v63  }
0x25: {  	_ =	swait.ge [sflag:s6], $0x1800  }
0x26: {  	[sflag:s6] =	ssyncset.done $0x0  }
0x27: {  	[sflag:s6] =	ssyncadd.s32 $0xFFFFE800  }
0x28: {  	_ =	swait.ge [sflag:s6], $0x1800  }
0x29: {  	[sflag:s6] =	ssyncset.done $0x0  }
0x2a: {  	[sflag:s6] =	ssyncadd.s32 $0xFFFFE800  }
0x2b: {  	_ =	swait.ge [sflag:s6], $0x1800  }
0x2c: {  	[sflag:s6] =	ssyncset.done $0x0  }
0x2d: {  	[sflag:s6] =	ssyncadd.s32 $0xFFFFE800  }
0x2e: {  	_ =	swait.ge [sflag:s6], $0x1800  }
0x2f: {  	[sflag:s6] =	ssyncset.done $0x0  }
0x30: {  	[sflag:s6] =	ssyncadd.s32 $0xFFFFE800  }
0x31: {  	_ =	swait.ge [sflag:s6], $0x1800  }
0x32: {  	[sflag:s6] =	ssyncset.done $0x0  }
0x33: {  	s22 =	sadd.s32 $0xFFFFFFFF, s22;
	[sflag:s6] =	ssyncadd.s32 $0xFFFFE800  }
0x34: {  	p2 =	sne.s32 s22, $0x0;
	_ =	swait.ge [sflag:s6], $0x1800  }
.Ltmp1:
0x35: {  	[sflag:s6] =	ssyncset.done $0x0;
	(pc) =	sbr.rel @!p2 .LBB2_3-.Ltmp1, $4  }
0x36: {  	[sflag:s6] =	ssyncadd.s32 $0xFFFFE800  }
0x37: {  	[hbm4b:s2+s1] =	stream.linear.scatter [tilespmem:s5], [sflag:$0x2], $0x9000, $0x38;
	[tilespmem:$0xA240] =	vst v63  }
0x38: {  	_ =	swait.ge [sflag:s3], $0x9000  }
0x39: {  	p1 =	por $0x1, $0x1;
	[sflag:s3] =	ssyncset.done $0x0  }
.LBB2_2:
0x3a: {  	[sflag:s3] =	ssyncadd.s32 $0xFFFF7000  }
0x3b: {  	[spmem:s18], [sflag:s20] =	dma.local @!p0 [hbm:s9], $0x2000  }
0x3c: {  	s22 =	sadd.s32 $0xFFFFFFFF, s22;
	_ =	swait.ge @!p0 [sflag:s21], $0x2000  }
0x3d: {  	p2 =	sne.s32 s22, $0x0;
	[sflag:s21] =	ssyncset.done @!p0 $0x0  }
0x3e: {  	[sflag:s21] =	ssyncadd.s32 @!p0 $0xFFFFE000  }
0x3f: {  	[tilespmem:s1], [sflag:$0x2] =	stream.linear.gather [hbm4b:s8+s1], $0x240, $0x38;
	[tilespmem:$0xA240] =	vst v63  }
0x40: {  	_ =	swait.ge [sflag:s3], $0x240  }
0x41: {  	[sflag:s3] =	ssyncset.done $0x0  }
0x42: {  	[sflag:s3] =	ssyncadd.s32 $0xFFFFFDC0  }
0x43: {  	[bflag:$0x0] =	sbarrier.arrive $0xFFFF  }
0x44: {  	[tilespmem:s5], [sflag:$0x1] =	stream.indirect.gather [spmem:s4], $0x40, s1, s7, $0xb8;
	[tilespmem:$0xA240] =	vst v63  }
0x45: {  	_ = 	snop  }
0x46: {  	[tilespmem:s10], [sflag:$0x1] =	stream.indirect.gather [spmem:s4], $0x40, s7, s7, $0xb8;
	[tilespmem:$0xA240] =	vst v63  }
0x47: {  	_ = 	snop  }
0x48: {  	[tilespmem:s12], [sflag:$0x1] =	stream.indirect.gather [spmem:s4], $0x40, s11, s7, $0xb8;
	[tilespmem:$0xA240] =	vst v63  }
0x49: {  	_ = 	snop  }
0x4a: {  	[tilespmem:s14], [sflag:$0x1] =	stream.indirect.gather [spmem:s4], $0x40, s13, s7, $0xb8;
	[tilespmem:$0xA240] =	vst v63  }
0x4b: {  	_ = 	snop  }
0x4c: {  	[tilespmem:s16], [sflag:$0x1] =	stream.indirect.gather [spmem:s4], $0x40, s15, s7, $0xb8;
	[tilespmem:$0xA240] =	vst v63  }
0x4d: {  	_ = 	snop  }
0x4e: {  	[tilespmem:s19], [sflag:$0x1] =	stream.indirect.gather [spmem:s4], $0x40, s17, s7, $0xb8;
	[tilespmem:$0xA240] =	vst v63  }
0x4f: {  	_ =	swait.ge [sflag:s6], $0x1800  }
0x50: {  	[sflag:s6] =	ssyncset.done $0x0  }
0x51: {  	[sflag:s6] =	ssyncadd.s32 $0xFFFFE800  }
0x52: {  	_ =	swait.ge [sflag:s6], $0x1800  }
0x53: {  	[sflag:s6] =	ssyncset.done $0x0  }
0x54: {  	[sflag:s6] =	ssyncadd.s32 $0xFFFFE800  }
0x55: {  	_ =	swait.ge [sflag:s6], $0x1800  }
0x56: {  	[sflag:s6] =	ssyncset.done $0x0  }
0x57: {  	[sflag:s6] =	ssyncadd.s32 $0xFFFFE800  }
0x58: {  	_ =	swait.ge [sflag:s6], $0x1800  }
0x59: {  	[sflag:s6] =	ssyncset.done $0x0  }
0x5a: {  	[sflag:s6] =	ssyncadd.s32 $0xFFFFE800  }
0x5b: {  	_ =	swait.ge [sflag:s6], $0x1800  }
0x5c: {  	[sflag:s6] =	ssyncset.done $0x0  }
0x5d: {  	[sflag:s6] =	ssyncadd.s32 $0xFFFFE800  }
0x5e: {  	_ =	swait.ge [sflag:s6], $0x1800  }
.Ltmp2:
0x5f: {  	[sflag:s6] =	ssyncset.done $0x0;
	(pc) =	sbr.rel @p2 .LBB2_2-.Ltmp2, $4  }
0x60: {  	[sflag:s6] =	ssyncadd.s32 $0xFFFFE800  }
0x61: {  	[hbm4b:s2+s1] =	stream.linear.scatter [tilespmem:s5], [sflag:$0x2], $0x9000, $0x38;
	[tilespmem:$0xA240] =	vst v63  }
0x62: {  	_ =	swait.ge [sflag:s3], $0x9000  }
0x63: {  	[sflag:s3] =	ssyncset.done $0x0  }
.LBB2_3:
0x64: {  	s20 =	simm.s32 @!p0 $0x1C02;
	s21 =	simm.s32 @!p0 $0x2;
	[sflag:s3] =	ssyncadd.s32 @p1 $0xFFFF7000  }
0x65: {  	[spmem:s18], [sflag:s20] =	dma.local @!p0 [hbm:s9], $0x2000  }
0x66: {  	_ =	swait.ge @!p0 [sflag:s21], $0x2000  }
0x67: {  	[sflag:s21] =	ssyncset.done @!p0 $0x0  }
0x68: {  	[sflag:s21] =	ssyncadd.s32 @!p0 $0xFFFFE000  }
0x69: {  	[tilespmem:s1], [sflag:$0x2] =	stream.linear.gather [hbm4b:s8+s1], $0x240, $0x38;
	[tilespmem:$0xA240] =	vst v63  }
0x6a: {  	_ =	swait.ge [sflag:s3], $0x240  }
0x6b: {  	[sflag:s3] =	ssyncset.done $0x0  }
0x6c: {  	[sflag:s3] =	ssyncadd.s32 $0xFFFFFDC0  }
0x6d: {  	[bflag:$0x0] =	sbarrier.arrive $0xFFFF  }
0x6e: {  	[tilespmem:s5], [sflag:$0x1] =	stream.indirect.gather [spmem:s4], $0x40, s1, s7, $0xb8;
	[tilespmem:$0xA240] =	vst v63  }
0x6f: {  	_ = 	snop  }
0x70: {  	[tilespmem:s10], [sflag:$0x1] =	stream.indirect.gather [spmem:s4], $0x40, s7, s7, $0xb8;
	[tilespmem:$0xA240] =	vst v63  }
0x71: {  	_ = 	snop  }
0x72: {  	[tilespmem:s12], [sflag:$0x1] =	stream.indirect.gather [spmem:s4], $0x40, s11, s7, $0xb8;
	[tilespmem:$0xA240] =	vst v63  }
0x73: {  	_ = 	snop  }
0x74: {  	[tilespmem:s14], [sflag:$0x1] =	stream.indirect.gather [spmem:s4], $0x40, s13, s7, $0xb8;
	[tilespmem:$0xA240] =	vst v63  }
0x75: {  	_ = 	snop  }
0x76: {  	[tilespmem:s16], [sflag:$0x1] =	stream.indirect.gather [spmem:s4], $0x40, s15, s7, $0xb8;
	[tilespmem:$0xA240] =	vst v63  }
0x77: {  	_ = 	snop  }
0x78: {  	[tilespmem:s19], [sflag:$0x1] =	stream.indirect.gather [spmem:s4], $0x40, s17, s7, $0xb8;
	[tilespmem:$0xA240] =	vst v63  }
0x79: {  	_ =	swait.ge [sflag:s6], $0x1800  }
0x7a: {  	[sflag:s6] =	ssyncset.done $0x0  }
0x7b: {  	[sflag:s6] =	ssyncadd.s32 $0xFFFFE800  }
0x7c: {  	_ =	swait.ge [sflag:s6], $0x1800  }
0x7d: {  	[sflag:s6] =	ssyncset.done $0x0  }
0x7e: {  	[sflag:s6] =	ssyncadd.s32 $0xFFFFE800  }
0x7f: {  	_ =	swait.ge [sflag:s6], $0x1800  }
0x80: {  	[sflag:s6] =	ssyncset.done $0x0  }
0x81: {  	[sflag:s6] =	ssyncadd.s32 $0xFFFFE800  }
0x82: {  	_ =	swait.ge [sflag:s6], $0x1800  }
0x83: {  	[sflag:s6] =	ssyncset.done $0x0  }
0x84: {  	[sflag:s6] =	ssyncadd.s32 $0xFFFFE800  }
0x85: {  	_ =	swait.ge [sflag:s6], $0x1800  }
0x86: {  	[sflag:s6] =	ssyncset.done $0x0  }
0x87: {  	[sflag:s6] =	ssyncadd.s32 $0xFFFFE800  }
0x88: {  	_ =	swait.ge [sflag:s6], $0x1800  }
0x89: {  	[sflag:s6] =	ssyncset.done $0x0  }
0x8a: {  	[sflag:s6] =	ssyncadd.s32 $0xFFFFE800  }
0x8b: {  	[hbm4b:s2+s1] =	stream.linear.scatter [tilespmem:s5], [sflag:$0x2], $0x9000, $0x38;
	[tilespmem:$0xA240] =	vst v63  }
0x8c: {  	_ =	swait.ge [sflag:s3], $0x9000  }
0x8d: {  	[sflag:s3] =	ssyncset.done $0x0  }
0x8e: {  	[sflag:s3] =	ssyncadd.s32 $0xFFFF7000  }
0x8f: {  	_ =	sfence.sel $0x180000  }
0x90: {  	[bflag:$0x0] =	sbarrier.arrive $0xFFFF  }
0x91: {  	_ =	strace $0x90000047  }
0x92: {  	s0 =	sadd.s32 @!p0 $0x100000, s0;
	[bflag:$0x2] =	sbarrier.arrive $0xFFFF  }
0x93: {  	[sflag:s0] =	ssyncadd.tile.s32 @!p0 $0x1;
	_ =	shalt  }
.Lfunc_end2:
_tile_overlayer_lowered:
.L_overlay_start_2:
0x94: {  	(tag) =	ssettag $0x2  }
0x95: {  	s0 =	rddreg [dreg:$0x0];
	s2 =	stileid.u32  }
0x96: {  	s1 =	rddreg [dreg:$0x1];
	p0 =	sne.s32 s2, $0x0  }
0x97: {  	s3 =	rddreg [dreg:$0x2];
	[bflag:$0x3] =	sbarrier.arrive $0xFFFF;
	s2 =	simm.s32 @!p0 $0x1C02  }
0x98: {  	[timem:s3], [sflag:s2] =	dma.local @!p0 [hbm:s0], s1  }
0x99: {  	s0 =	simm.s32 @!p0 $0x2  }
0x9a: {  	_ =	swait.ge @!p0 [sflag:s0], s1  }
0x9b: {  	s1 =	ssub.s32 @!p0 $0x0, s1;
	[sflag:s0] =	ssyncset.done @!p0 $0x0  }
0x9c: {  	[sflag:s0] =	ssyncadd.s32 @!p0 s1  }
0x9d: {  	[bflag:$0x3] =	sbarrier.arrive $0xFFFF  }
0x9e: {  	_ =	shalt  }

</sc_bundles>
